<compile_context>
chip_gen: v7x
topology: tpu7x:2x2x1
jax: 0.10.2.dev20260603
libtpu: 0.0.44.dev20260713+nightly
codegen_flags: <defaults>
</compile_context>

<pallas_src>
import functools

import jax
import jax.numpy as jnp
from jax import lax
from jax.experimental import pallas as pl
from jax.experimental.pallas import tpu as pltpu
from jax.experimental.pallas import tpu_sc as plsc

_VOCAB = 1000000
_DIM = 32
_B = 4096
_L = 200
_NTOK = _B * _L

_info = plsc.get_sparse_core_info()
_NC = _info.num_cores
_NS = _info.num_subcores
_NW = _NC * _NS
_B_PER_W = _NTOK // _NW

_NBUF = 2
_CHUNK = 1600
_N_CHUNKS = _B_PER_W // _CHUNK
_N_GROUPS = _N_CHUNKS // _NBUF

_mesh = plsc.VectorSubcoreMesh(core_axis_name="c", subcore_axis_name="s")


@functools.partial(
    pl.kernel,
    mesh=_mesh,
    out_type=jax.ShapeDtypeStruct((_NTOK, _DIM), jnp.float32),
    scratch_types=[
        pltpu.VMEM((_NBUF, _CHUNK), jnp.int32),
        pltpu.VMEM((_NBUF, _CHUNK, _DIM), jnp.float32),
    ] + [pltpu.SemaphoreType.DMA] * (3 * _NBUF),
    compiler_params=pltpu.CompilerParams(use_tc_tiling_on_sc=False),
)
def _gather_kernel(idx_hbm, table_hbm, out_hbm, idx_v, rows_v, *sems):
    sem_idx = sems[0:_NBUF]
    sem_g = sems[_NBUF:2 * _NBUF]
    sem_st = sems[2 * _NBUF:3 * _NBUF]

    wid = lax.axis_index("s") * _NC + lax.axis_index("c")
    wbase = pl.multiple_of(wid * _B_PER_W, 8)

    def idx_copy(i, b):
        base = pl.multiple_of(wbase + i * _CHUNK, 8)
        return pltpu.make_async_copy(
            idx_hbm.at[pl.ds(base, _CHUNK)], idx_v.at[b], sem_idx[b])

    def gather_copy(b):
        return pltpu.make_async_copy(
            table_hbm.at[idx_v.at[b]], rows_v.at[b], sem_g[b])

    def store_copy(i, b):
        base = pl.multiple_of(wbase + i * _CHUNK, 8)
        return pltpu.make_async_copy(
            rows_v.at[b], out_hbm.at[pl.ds(base, _CHUNK)], sem_st[b])

    for b in range(_NBUF):
        idx_copy(jnp.int32(b), b).start()

    def retire(ip, bp):
        gather_copy(bp).wait()
        store_copy(ip, bp).start()

        @pl.when(ip + _NBUF < _N_CHUNKS)
        def _():
            idx_copy(ip + _NBUF, bp).start()

    def group(g, carry):
        for b in range(_NBUF):
            i = g * _NBUF + b
            idx_copy(i, b).wait()

            @pl.when(g >= 1)
            def _():
                store_copy(i - _NBUF, b).wait()

            gather_copy(b).start()

            bp = (b - 1) % _NBUF
            if b == 0:
                @pl.when(g >= 1)
                def _():
                    retire(i - 1, bp)
            else:
                retire(i - 1, bp)
        return carry

    lax.fori_loop(0, _N_GROUPS, group, 0)

    last = _N_CHUNKS - 1
    retire(last, (_N_CHUNKS - 1) % _NBUF)
    for b in range(_NBUF):
        store_copy(_N_CHUNKS - _NBUF + b, b).wait()


def kernel(inputs, table):
    idx = inputs.reshape(-1)
    out = _gather_kernel(idx, table)
    return out.reshape(_B, _L, _DIM)

# --- scband reference (transcript-rebuilt; emitter-appended) ---
"""Pipeline reference for scband-sequence-embedding-61984968016388 (READ-ONLY COPY).

The authoritative reference and input builder live on the scoring server;
editing this copy changes nothing except your own understanding.
"""

import jax, jax.numpy as jnp
import numpy as np

VOCAB = 1000000
DIM = 32
B = 4096
L = 200


def setup_inputs(seed: int = 0) -> dict:
    key = jax.random.key(seed)
    k1, k2 = jax.random.split(key)
    indices = jax.random.randint(k1, (B, L), 0, VOCAB, dtype=jnp.int32)
    # learned embedding table (feature.dim x units); Keras Embedding default init ~ uniform
    table = jax.random.uniform(k2, (VOCAB, DIM), dtype=jnp.float32, minval=-0.05, maxval=0.05)
    return {"inputs": indices, "table": table}


def reference(inputs, table):
    # SequenceEmbedding.call: emb = self.embedding(inputs)
    # mask_zero=True only attaches a Keras mask; the returned values are the raw lookups.
    emb = jnp.take(table, inputs, axis=0)  # [B, L, DIM]
    return emb

if __name__ == "__main__":
    import jax
    _d = setup_inputs()
    print(jax.jit(kernel)(*tuple(_d.values())))

</pallas_src>

<mosaic_0001>
#map = affine_map<(d0, d1) -> (0)>
#map1 = affine_map<(d0, d1) -> (0, 0)>
module attributes {stable_mosaic.version = 14 : i64} {
  func.func @_gather_kernel(%arg0: i32, %arg1: i32, %arg2: memref<819200xi32, #tpu.memory_space<hbm>>, %arg3: memref<1000000x32xf32, #tpu.memory_space<hbm>>, %arg4: memref<819200x32xf32, #tpu.memory_space<hbm>>, %arg5: memref<2x1600xi32, #tpu.memory_space<vmem>>, %arg6: memref<2x1600x32xf32, #tpu.memory_space<vmem>>, %arg7: memref<!tpu.dma_semaphore, #tpu.memory_space<semaphore_mem>>, %arg8: memref<!tpu.dma_semaphore, #tpu.memory_space<semaphore_mem>>, %arg9: memref<!tpu.dma_semaphore, #tpu.memory_space<semaphore_mem>>, %arg10: memref<!tpu.dma_semaphore, #tpu.memory_space<semaphore_mem>>, %arg11: memref<!tpu.dma_semaphore, #tpu.memory_space<semaphore_mem>>, %arg12: memref<!tpu.dma_semaphore, #tpu.memory_space<semaphore_mem>>) attributes {dimension_semantics = [#tpu.dimension_semantics<core_parallel>, #tpu.dimension_semantics<subcore_parallel>], iteration_bounds = array<i64: 2, 16>, scalar_prefetch = 0 : i64, scratch_operands = 8 : i64, tpu.core_type = #tpu.core_type<sc_vector_subcore>, window_params = [{transform_indices = #map}, {transform_indices = #map1}, {transform_indices = #map1}]} {
    %mul3A = arith.constant 2 : i32
    %mul3A_0 = arith.muli %arg1, %mul3A : i32
    %add3A = arith.addi %mul3A_0, %arg0 : i32
    %mul3A_1 = arith.constant 25600 : i32
    %mul3A_2 = arith.muli %add3A, %mul3A_1 : i32
    %multiple_of3A = tpu.assume_multiple %mul3A_2, 8 : i32
    %mul3A_3 = arith.constant 0 : i32
    %mul3A_4 = arith.constant 1600 : i32
    %mul3A_5 = arith.muli %mul3A_3, %mul3A_4 : i32
    %add3A_6 = arith.addi %multiple_of3A, %mul3A_5 : i32
    %multiple_of3A_7 = tpu.assume_multiple %add3A_6, 8 : i32
    %dma_start3A = arith.constant 0 : i32
    %dma_start3A_8 = arith.constant 0 : i32
    %dma_start3A_9 = tpu.memref_slice %arg5[%dma_start3A, %dma_start3A_8] : memref<2x1600xi32, #tpu.memory_space<vmem>> -> memref<1x1600xi32, #tpu.memory_space<vmem>>
    %dma_start3A_10 = tpu.memref_squeeze %dma_start3A_9 : memref<1x1600xi32, #tpu.memory_space<vmem>> -> memref<1600xi32, #tpu.memory_space<vmem>>
    %dma_start3A_11 = tpu.memref_slice %arg2[%multiple_of3A_7] : memref<819200xi32, #tpu.memory_space<hbm>> -> memref<1600xi32, #tpu.memory_space<hbm>>
    %dma_start3A_12 = arith.constant 0 : i32
    %dma_start3A_13 = tpu.memref_slice %arg5[%dma_start3A, %dma_start3A_12] : memref<2x1600xi32, #tpu.memory_space<vmem>> -> memref<1x1600xi32, #tpu.memory_space<vmem>>
    %dma_start3A_14 = tpu.memref_squeeze %dma_start3A_13 : memref<1x1600xi32, #tpu.memory_space<vmem>> -> memref<1600xi32, #tpu.memory_space<vmem>>
    %dma_start3A_15 = tpu.memref_slice %arg2[%multiple_of3A_7] : memref<819200xi32, #tpu.memory_space<hbm>> -> memref<1600xi32, #tpu.memory_space<hbm>>
    tpu.enqueue_dma source(%dma_start3A_15 : memref<1600xi32, #tpu.memory_space<hbm>>) target(%dma_start3A_14 : memref<1600xi32, #tpu.memory_space<vmem>>) target_semaphore(%arg7 : memref<!tpu.dma_semaphore, #tpu.memory_space<semaphore_mem>>)
    %mul3A_16 = arith.constant 1 : i32
    %mul3A_17 = arith.constant 1600 : i32
    %mul3A_18 = arith.muli %mul3A_16, %mul3A_17 : i32
    %add3A_19 = arith.addi %multiple_of3A, %mul3A_18 : i32
    %multiple_of3A_20 = tpu.assume_multiple %add3A_19, 8 : i32
    %dma_start3A_21 = arith.constant 1 : i32
    %dma_start3A_22 = arith.constant 0 : i32
    %dma_start3A_23 = tpu.memref_slice %arg5[%dma_start3A_21, %dma_start3A_22] : memref<2x1600xi32, #tpu.memory_space<vmem>> -> memref<1x1600xi32, #tpu.memory_space<vmem>>
    %dma_start3A_24 = tpu.memref_squeeze %dma_start3A_23 : memref<1x1600xi32, #tpu.memory_space<vmem>> -> memref<1600xi32, #tpu.memory_space<vmem>>
    %dma_start3A_25 = tpu.memref_slice %arg2[%multiple_of3A_20] : memref<819200xi32, #tpu.memory_space<hbm>> -> memref<1600xi32, #tpu.memory_space<hbm>>
    %dma_start3A_26 = arith.constant 0 : i32
    %dma_start3A_27 = tpu.memref_slice %arg5[%dma_start3A_21, %dma_start3A_26] : memref<2x1600xi32, #tpu.memory_space<vmem>> -> memref<1x1600xi32, #tpu.memory_space<vmem>>
    %dma_start3A_28 = tpu.memref_squeeze %dma_start3A_27 : memref<1x1600xi32, #tpu.memory_space<vmem>> -> memref<1600xi32, #tpu.memory_space<vmem>>
    %dma_start3A_29 = tpu.memref_slice %arg2[%multiple_of3A_20] : memref<819200xi32, #tpu.memory_space<hbm>> -> memref<1600xi32, #tpu.memory_space<hbm>>
    tpu.enqueue_dma source(%dma_start3A_29 : memref<1600xi32, #tpu.memory_space<hbm>>) target(%dma_start3A_28 : memref<1600xi32, #tpu.memory_space<vmem>>) target_semaphore(%arg8 : memref<!tpu.dma_semaphore, #tpu.memory_space<semaphore_mem>>)
    %scan3A = arith.constant 0 : i32
    %scan3A_30 = arith.constant 0 : i32
    %scan3A_31 = arith.constant 8 : i32
    %scan3A_32 = arith.addi %scan3A_30, %scan3A_31 : i32
    %scan3A_33 = arith.constant 1 : i32
    scf.for %scan3A_94 = %scan3A_30 to %scan3A_32 step %scan3A_33  : i32 {
      %mul3A_95 = arith.constant 2 : i32
      %mul3A_96 = arith.muli %scan3A_94, %mul3A_95 : i32
      %add3A_97 = arith.constant 0 : i32
      %add3A_98 = arith.addi %mul3A_96, %add3A_97 : i32
      %mul3A_99 = arith.constant 1600 : i32
      %mul3A_100 = arith.muli %add3A_98, %mul3A_99 : i32
      %add3A_101 = arith.addi %multiple_of3A, %mul3A_100 : i32
      %multiple_of3A_102 = tpu.assume_multiple %add3A_101, 8 : i32
      %dma_wait3A_103 = arith.constant 0 : i32
      %dma_wait3A_104 = arith.constant 0 : i32
      %dma_wait3A_105 = tpu.memref_slice %arg5[%dma_wait3A_103, %dma_wait3A_104] : memref<2x1600xi32, #tpu.memory_space<vmem>> -> memref<1x1600xi32, #tpu.memory_space<vmem>>
      %dma_wait3A_106 = tpu.memref_squeeze %dma_wait3A_105 : memref<1x1600xi32, #tpu.memory_space<vmem>> -> memref<1600xi32, #tpu.memory_space<vmem>>
      %dma_wait3A_107 = tpu.memref_slice %arg2[%multiple_of3A_102] : memref<819200xi32, #tpu.memory_space<hbm>> -> memref<1600xi32, #tpu.memory_space<hbm>>
      %dma_wait3A_108 = arith.constant 0 : i32
      %dma_wait3A_109 = tpu.memref_slice %arg5[%dma_wait3A_103, %dma_wait3A_108] : memref<2x1600xi32, #tpu.memory_space<vmem>> -> memref<1x1600xi32, #tpu.memory_space<vmem>>
      %dma_wait3A_110 = tpu.memref_squeeze %dma_wait3A_109 : memref<1x1600xi32, #tpu.memory_space<vmem>> -> memref<1600xi32, #tpu.memory_space<vmem>>
      %dma_wait3A_111 = tpu.memref_slice %arg2[%multiple_of3A_102] : memref<819200xi32, #tpu.memory_space<hbm>> -> memref<1600xi32, #tpu.memory_space<hbm>>
      tpu.wait_dma2 semaphore(%arg7 : memref<!tpu.dma_semaphore, #tpu.memory_space<semaphore_mem>>) src(%dma_wait3A_111 : memref<1600xi32, #tpu.memory_space<hbm>>) dst(%dma_wait3A_110 : memref<1600xi32, #tpu.memory_space<vmem>>)
      %ge3A = arith.constant 1 : i32
      %ge3A_112 = arith.cmpi sge, %scan3A_94, %ge3A : i32
      %convert_element_type3A = arith.extui %ge3A_112 : i1 to i32
      %cond3A = arith.constant 0 : i32
      %cond3A_113 = arith.cmpi ne, %convert_element_type3A, %cond3A : i32
      scf.if %cond3A_113 {
        %sub3A_201 = arith.constant 2 : i32
        %sub3A_202 = arith.subi %add3A_98, %sub3A_201 : i32
        %mul3A_203 = arith.constant 1600 : i32
        %mul3A_204 = arith.muli %sub3A_202, %mul3A_203 : i32
        %add3A_205 = arith.addi %multiple_of3A, %mul3A_204 : i32
        %multiple_of3A_206 = tpu.assume_multiple %add3A_205, 8 : i32
        %dma_wait3A_207 = arith.constant 0 : i32
        %dma_wait3A_208 = arith.constant 0 : i32
        %dma_wait3A_209 = arith.constant 0 : i32
        %dma_wait3A_210 = tpu.memref_slice %arg6[%dma_wait3A_207, %dma_wait3A_208, %dma_wait3A_209] : memref<2x1600x32xf32, #tpu.memory_space<vmem>> -> memref<1x1600x32xf32, #tpu.memory_space<vmem>>
        %dma_wait3A_211 = tpu.memref_squeeze %dma_wait3A_210 : memref<1x1600x32xf32, #tpu.memory_space<vmem>> -> memref<1600x32xf32, #tpu.memory_space<vmem>>
        %dma_wait3A_212 = arith.constant 0 : i32
        %dma_wait3A_213 = tpu.memref_slice %arg4[%multiple_of3A_206, %dma_wait3A_212] : memref<819200x32xf32, #tpu.memory_space<hbm>> -> memref<1600x32xf32, #tpu.memory_space<hbm>>
        %dma_wait3A_214 = arith.constant 0 : i32
        %dma_wait3A_215 = tpu.memref_slice %arg4[%multiple_of3A_206, %dma_wait3A_214] : memref<819200x32xf32, #tpu.memory_space<hbm>> -> memref<1600x32xf32, #tpu.memory_space<hbm>>
        %dma_wait3A_216 = arith.constant 0 : i32
        %dma_wait3A_217 = arith.constant 0 : i32
        %dma_wait3A_218 = tpu.memref_slice %arg6[%dma_wait3A_207, %dma_wait3A_216, %dma_wait3A_217] : memref<2x1600x32xf32, #tpu.memory_space<vmem>> -> memref<1x1600x32xf32, #tpu.memory_space<vmem>>
        %dma_wait3A_219 = tpu.memref_squeeze %dma_wait3A_218 : memref<1x1600x32xf32, #tpu.memory_space<vmem>> -> memref<1600x32xf32, #tpu.memory_space<vmem>>
        tpu.wait_dma2 semaphore(%arg11 : memref<!tpu.dma_semaphore, #tpu.memory_space<semaphore_mem>>) src(%dma_wait3A_219 : memref<1600x32xf32, #tpu.memory_space<vmem>>) dst(%dma_wait3A_215 : memref<1600x32xf32, #tpu.memory_space<hbm>>)
      } else {
      }
      %dma_start3A_114 = arith.constant 0 : i32
      %dma_start3A_115 = arith.constant 0 : i32
      %dma_start3A_116 = arith.constant 0 : i32
      %dma_start3A_117 = arith.constant 0 : i32
      %dma_start3A_118 = tpu.memref_slice %arg6[%dma_start3A_115, %dma_start3A_116, %dma_start3A_117] : memref<2x1600x32xf32, #tpu.memory_space<vmem>> -> memref<1x1600x32xf32, #tpu.memory_space<vmem>>
      %dma_start3A_119 = tpu.memref_squeeze %dma_start3A_118 : memref<1x1600x32xf32, #tpu.memory_space<vmem>> -> memref<1600x32xf32, #tpu.memory_space<vmem>>
      %dma_start3A_120 = arith.constant 0 : i32
      %dma_start3A_121 = tpu.memref_slice %arg5[%dma_start3A_114, %dma_start3A_120] : memref<2x1600xi32, #tpu.memory_space<vmem>> -> memref<1x1600xi32, #tpu.memory_space<vmem>>
      %dma_start3A_122 = tpu.memref_squeeze %dma_start3A_121 : memref<1x1600xi32, #tpu.memory_space<vmem>> -> memref<1600xi32, #tpu.memory_space<vmem>>
      %dma_start3A_123 = arith.constant 0 : i32
      %dma_start3A_124 = arith.constant 0 : i32
      %dma_start3A_125 = tpu.memref_slice %arg3[%dma_start3A_123, %dma_start3A_124] : memref<1000000x32xf32, #tpu.memory_space<hbm>> -> memref<1000000x32xf32, #tpu.memory_space<hbm>>
      tpu.enqueue_indirect_dma source(%dma_start3A_125 : memref<1000000x32xf32, #tpu.memory_space<hbm>>) target(%dma_start3A_119 : memref<1600x32xf32, #tpu.memory_space<vmem>>) offsets(%dma_start3A_122 : memref<1600xi32, #tpu.memory_space<vmem>>) semaphore(%arg9 : memref<!tpu.dma_semaphore, #tpu.memory_space<semaphore_mem>>)
      %ge3A_126 = arith.constant 1 : i32
      %ge3A_127 = arith.cmpi sge, %scan3A_94, %ge3A_126 : i32
      %convert_element_type3A_128 = arith.extui %ge3A_127 : i1 to i32
      %cond3A_129 = arith.constant 0 : i32
      %cond3A_130 = arith.cmpi ne, %convert_element_type3A_128, %cond3A_129 : i32
      scf.if %cond3A_130 {
        %sub3A_201 = arith.constant 1 : i32
        %sub3A_202 = arith.subi %add3A_98, %sub3A_201 : i32
        %dma_wait3A_203 = arith.constant 1 : i32
        %dma_wait3A_204 = arith.constant 1 : i32
        %dma_wait3A_205 = arith.constant 0 : i32
        %dma_wait3A_206 = arith.constant 0 : i32
        %dma_wait3A_207 = tpu.memref_slice %arg6[%dma_wait3A_204, %dma_wait3A_205, %dma_wait3A_206] : memref<2x1600x32xf32, #tpu.memory_space<vmem>> -> memref<1x1600x32xf32, #tpu.memory_space<vmem>>
        %dma_wait3A_208 = tpu.memref_squeeze %dma_wait3A_207 : memref<1x1600x32xf32, #tpu.memory_space<vmem>> -> memref<1600x32xf32, #tpu.memory_space<vmem>>
        %dma_wait3A_209 = arith.constant 0 : i32
        %dma_wait3A_210 = tpu.memref_slice %arg5[%dma_wait3A_203, %dma_wait3A_209] : memref<2x1600xi32, #tpu.memory_space<vmem>> -> memref<1x1600xi32, #tpu.memory_space<vmem>>
        %dma_wait3A_211 = tpu.memref_squeeze %dma_wait3A_210 : memref<1x1600xi32, #tpu.memory_space<vmem>> -> memref<1600xi32, #tpu.memory_space<vmem>>
        %dma_wait3A_212 = arith.constant 0 : i32
        %dma_wait3A_213 = arith.constant 0 : i32
        %dma_wait3A_214 = tpu.memref_slice %arg3[%dma_wait3A_212, %dma_wait3A_213] : memref<1000000x32xf32, #tpu.memory_space<hbm>> -> memref<1000000x32xf32, #tpu.memory_space<hbm>>
        tpu.wait_indirect_dma semaphore(%arg10 : memref<!tpu.dma_semaphore, #tpu.memory_space<semaphore_mem>>) src(%dma_wait3A_214 : memref<1000000x32xf32, #tpu.memory_space<hbm>>) dst(%dma_wait3A_208 : memref<1600x32xf32, #tpu.memory_space<vmem>>)
        %mul3A_215 = arith.constant 1600 : i32
        %mul3A_216 = arith.muli %sub3A_202, %mul3A_215 : i32
        %add3A_217 = arith.addi %multiple_of3A, %mul3A_216 : i32
        %multiple_of3A_218 = tpu.assume_multiple %add3A_217, 8 : i32
        %dma_start3A_219 = arith.constant 1 : i32
        %dma_start3A_220 = arith.constant 0 : i32
        %dma_start3A_221 = arith.constant 0 : i32
        %dma_start3A_222 = tpu.memref_slice %arg6[%dma_start3A_219, %dma_start3A_220, %dma_start3A_221] : memref<2x1600x32xf32, #tpu.memory_space<vmem>> -> memref<1x1600x32xf32, #tpu.memory_space<vmem>>
        %dma_start3A_223 = tpu.memref_squeeze %dma_start3A_222 : memref<1x1600x32xf32, #tpu.memory_space<vmem>> -> memref<1600x32xf32, #tpu.memory_space<vmem>>
        %dma_start3A_224 = arith.constant 0 : i32
        %dma_start3A_225 = tpu.memref_slice %arg4[%multiple_of3A_218, %dma_start3A_224] : memref<819200x32xf32, #tpu.memory_space<hbm>> -> memref<1600x32xf32, #tpu.memory_space<hbm>>
        %dma_start3A_226 = arith.constant 0 : i32
        %dma_start3A_227 = tpu.memref_slice %arg4[%multiple_of3A_218, %dma_start3A_226] : memref<819200x32xf32, #tpu.memory_space<hbm>> -> memref<1600x32xf32, #tpu.memory_space<hbm>>
        %dma_start3A_228 = arith.constant 0 : i32
        %dma_start3A_229 = arith.constant 0 : i32
        %dma_start3A_230 = tpu.memref_slice %arg6[%dma_start3A_219, %dma_start3A_228, %dma_start3A_229] : memref<2x1600x32xf32, #tpu.memory_space<vmem>> -> memref<1x1600x32xf32, #tpu.memory_space<vmem>>
        %dma_start3A_231 = tpu.memref_squeeze %dma_start3A_230 : memref<1x1600x32xf32, #tpu.memory_space<vmem>> -> memref<1600x32xf32, #tpu.memory_space<vmem>>
        tpu.enqueue_dma source(%dma_start3A_231 : memref<1600x32xf32, #tpu.memory_space<vmem>>) target(%dma_start3A_227 : memref<1600x32xf32, #tpu.memory_space<hbm>>) target_semaphore(%arg12 : memref<!tpu.dma_semaphore, #tpu.memory_space<semaphore_mem>>)
        %add3A_232 = arith.constant 2 : i32
        %add3A_233 = arith.addi %sub3A_202, %add3A_232 : i32
        %lt3A_234 = arith.constant 16 : i32
        %lt3A_235 = arith.cmpi slt, %add3A_233, %lt3A_234 : i32
        %convert_element_type3A_236 = arith.extui %lt3A_235 : i1 to i32
        %cond3A_237 = arith.constant 0 : i32
        %cond3A_238 = arith.cmpi ne, %convert_element_type3A_236, %cond3A_237 : i32
        scf.if %cond3A_238 {
          %add3A_239 = arith.constant 2 : i32
          %add3A_240 = arith.addi %sub3A_202, %add3A_239 : i32
          %mul3A_241 = arith.constant 1600 : i32
          %mul3A_242 = arith.muli %add3A_240, %mul3A_241 : i32
          %add3A_243 = arith.addi %multiple_of3A, %mul3A_242 : i32
          %multiple_of3A_244 = tpu.assume_multiple %add3A_243, 8 : i32
          %dma_start3A_245 = arith.constant 1 : i32
          %dma_start3A_246 = arith.constant 0 : i32
          %dma_start3A_247 = tpu.memref_slice %arg5[%dma_start3A_245, %dma_start3A_246] : memref<2x1600xi32, #tpu.memory_space<vmem>> -> memref<1x1600xi32, #tpu.memory_space<vmem>>
          %dma_start3A_248 = tpu.memref_squeeze %dma_start3A_247 : memref<1x1600xi32, #tpu.memory_space<vmem>> -> memref<1600xi32, #tpu.memory_space<vmem>>
          %dma_start3A_249 = tpu.memref_slice %arg2[%multiple_of3A_244] : memref<819200xi32, #tpu.memory_space<hbm>> -> memref<1600xi32, #tpu.memory_space<hbm>>
          %dma_start3A_250 = arith.constant 0 : i32
          %dma_start3A_251 = tpu.memref_slice %arg5[%dma_start3A_245, %dma_start3A_250] : memref<2x1600xi32, #tpu.memory_space<vmem>> -> memref<1x1600xi32, #tpu.memory_space<vmem>>
          %dma_start3A_252 = tpu.memref_squeeze %dma_start3A_251 : memref<1x1600xi32, #tpu.memory_space<vmem>> -> memref<1600xi32, #tpu.memory_space<vmem>>
          %dma_start3A_253 = tpu.memref_slice %arg2[%multiple_of3A_244] : memref<819200xi32, #tpu.memory_space<hbm>> -> memref<1600xi32, #tpu.memory_space<hbm>>
          tpu.enqueue_dma source(%dma_start3A_253 : memref<1600xi32, #tpu.memory_space<hbm>>) target(%dma_start3A_252 : memref<1600xi32, #tpu.memory_space<vmem>>) target_semaphore(%arg8 : memref<!tpu.dma_semaphore, #tpu.memory_space<semaphore_mem>>)
        } else {
        }
      } else {
      }
      %mul3A_131 = arith.constant 2 : i32
      %mul3A_132 = arith.muli %scan3A_94, %mul3A_131 : i32
      %add3A_133 = arith.constant 1 : i32
      %add3A_134 = arith.addi %mul3A_132, %add3A_133 : i32
      %mul3A_135 = arith.constant 1600 : i32
      %mul3A_136 = arith.muli %add3A_134, %mul3A_135 : i32
      %add3A_137 = arith.addi %multiple_of3A, %mul3A_136 : i32
      %multiple_of3A_138 = tpu.assume_multiple %add3A_137, 8 : i32
      %dma_wait3A_139 = arith.constant 1 : i32
      %dma_wait3A_140 = arith.constant 0 : i32
      %dma_wait3A_141 = tpu.memref_slice %arg5[%dma_wait3A_139, %dma_wait3A_140] : memref<2x1600xi32, #tpu.memory_space<vmem>> -> memref<1x1600xi32, #tpu.memory_space<vmem>>
      %dma_wait3A_142 = tpu.memref_squeeze %dma_wait3A_141 : memref<1x1600xi32, #tpu.memory_space<vmem>> -> memref<1600xi32, #tpu.memory_space<vmem>>
      %dma_wait3A_143 = tpu.memref_slice %arg2[%multiple_of3A_138] : memref<819200xi32, #tpu.memory_space<hbm>> -> memref<1600xi32, #tpu.memory_space<hbm>>
      %dma_wait3A_144 = arith.constant 0 : i32
      %dma_wait3A_145 = tpu.memref_slice %arg5[%dma_wait3A_139, %dma_wait3A_144] : memref<2x1600xi32, #tpu.memory_space<vmem>> -> memref<1x1600xi32, #tpu.memory_space<vmem>>
      %dma_wait3A_146 = tpu.memref_squeeze %dma_wait3A_145 : memref<1x1600xi32, #tpu.memory_space<vmem>> -> memref<1600xi32, #tpu.memory_space<vmem>>
      %dma_wait3A_147 = tpu.memref_slice %arg2[%multiple_of3A_138] : memref<819200xi32, #tpu.memory_space<hbm>> -> memref<1600xi32, #tpu.memory_space<hbm>>
      tpu.wait_dma2 semaphore(%arg8 : memref<!tpu.dma_semaphore, #tpu.memory_space<semaphore_mem>>) src(%dma_wait3A_147 : memref<1600xi32, #tpu.memory_space<hbm>>) dst(%dma_wait3A_146 : memref<1600xi32, #tpu.memory_space<vmem>>)
      %ge3A_148 = arith.constant 1 : i32
      %ge3A_149 = arith.cmpi sge, %scan3A_94, %ge3A_148 : i32
      %convert_element_type3A_150 = arith.extui %ge3A_149 : i1 to i32
      %cond3A_151 = arith.constant 0 : i32
      %cond3A_152 = arith.cmpi ne, %convert_element_type3A_150, %cond3A_151 : i32
      scf.if %cond3A_152 {
        %sub3A_201 = arith.constant 2 : i32
        %sub3A_202 = arith.subi %add3A_134, %sub3A_201 : i32
        %mul3A_203 = arith.constant 1600 : i32
        %mul3A_204 = arith.muli %sub3A_202, %mul3A_203 : i32
        %add3A_205 = arith.addi %multiple_of3A, %mul3A_204 : i32
        %multiple_of3A_206 = tpu.assume_multiple %add3A_205, 8 : i32
        %dma_wait3A_207 = arith.constant 1 : i32
        %dma_wait3A_208 = arith.constant 0 : i32
        %dma_wait3A_209 = arith.constant 0 : i32
        %dma_wait3A_210 = tpu.memref_slice %arg6[%dma_wait3A_207, %dma_wait3A_208, %dma_wait3A_209] : memref<2x1600x32xf32, #tpu.memory_space<vmem>> -> memref<1x1600x32xf32, #tpu.memory_space<vmem>>
        %dma_wait3A_211 = tpu.memref_squeeze %dma_wait3A_210 : memref<1x1600x32xf32, #tpu.memory_space<vmem>> -> memref<1600x32xf32, #tpu.memory_space<vmem>>
        %dma_wait3A_212 = arith.constant 0 : i32
        %dma_wait3A_213 = tpu.memref_slice %arg4[%multiple_of3A_206, %dma_wait3A_212] : memref<819200x32xf32, #tpu.memory_space<hbm>> -> memref<1600x32xf32, #tpu.memory_space<hbm>>
        %dma_wait3A_214 = arith.constant 0 : i32
        %dma_wait3A_215 = tpu.memref_slice %arg4[%multiple_of3A_206, %dma_wait3A_214] : memref<819200x32xf32, #tpu.memory_space<hbm>> -> memref<1600x32xf32, #tpu.memory_space<hbm>>
        %dma_wait3A_216 = arith.constant 0 : i32
        %dma_wait3A_217 = arith.constant 0 : i32
        %dma_wait3A_218 = tpu.memref_slice %arg6[%dma_wait3A_207, %dma_wait3A_216, %dma_wait3A_217] : memref<2x1600x32xf32, #tpu.memory_space<vmem>> -> memref<1x1600x32xf32, #tpu.memory_space<vmem>>
        %dma_wait3A_219 = tpu.memref_squeeze %dma_wait3A_218 : memref<1x1600x32xf32, #tpu.memory_space<vmem>> -> memref<1600x32xf32, #tpu.memory_space<vmem>>
        tpu.wait_dma2 semaphore(%arg12 : memref<!tpu.dma_semaphore, #tpu.memory_space<semaphore_mem>>) src(%dma_wait3A_219 : memref<1600x32xf32, #tpu.memory_space<vmem>>) dst(%dma_wait3A_215 : memref<1600x32xf32, #tpu.memory_space<hbm>>)
      } else {
      }
      %dma_start3A_153 = arith.constant 1 : i32
      %dma_start3A_154 = arith.constant 1 : i32
      %dma_start3A_155 = arith.constant 0 : i32
      %dma_start3A_156 = arith.constant 0 : i32
      %dma_start3A_157 = tpu.memref_slice %arg6[%dma_start3A_154, %dma_start3A_155, %dma_start3A_156] : memref<2x1600x32xf32, #tpu.memory_space<vmem>> -> memref<1x1600x32xf32, #tpu.memory_space<vmem>>
      %dma_start3A_158 = tpu.memref_squeeze %dma_start3A_157 : memref<1x1600x32xf32, #tpu.memory_space<vmem>> -> memref<1600x32xf32, #tpu.memory_space<vmem>>
      %dma_start3A_159 = arith.constant 0 : i32
      %dma_start3A_160 = tpu.memref_slice %arg5[%dma_start3A_153, %dma_start3A_159] : memref<2x1600xi32, #tpu.memory_space<vmem>> -> memref<1x1600xi32, #tpu.memory_space<vmem>>
      %dma_start3A_161 = tpu.memref_squeeze %dma_start3A_160 : memref<1x1600xi32, #tpu.memory_space<vmem>> -> memref<1600xi32, #tpu.memory_space<vmem>>
      %dma_start3A_162 = arith.constant 0 : i32
      %dma_start3A_163 = arith.constant 0 : i32
      %dma_start3A_164 = tpu.memref_slice %arg3[%dma_start3A_162, %dma_start3A_163] : memref<1000000x32xf32, #tpu.memory_space<hbm>> -> memref<1000000x32xf32, #tpu.memory_space<hbm>>
      tpu.enqueue_indirect_dma source(%dma_start3A_164 : memref<1000000x32xf32, #tpu.memory_space<hbm>>) target(%dma_start3A_158 : memref<1600x32xf32, #tpu.memory_space<vmem>>) offsets(%dma_start3A_161 : memref<1600xi32, #tpu.memory_space<vmem>>) semaphore(%arg10 : memref<!tpu.dma_semaphore, #tpu.memory_space<semaphore_mem>>)
      %sub3A = arith.constant 1 : i32
      %sub3A_165 = arith.subi %add3A_134, %sub3A : i32
      %dma_wait3A_166 = arith.constant 0 : i32
      %dma_wait3A_167 = arith.constant 0 : i32
      %dma_wait3A_168 = arith.constant 0 : i32
      %dma_wait3A_169 = arith.constant 0 : i32
      %dma_wait3A_170 = tpu.memref_slice %arg6[%dma_wait3A_167, %dma_wait3A_168, %dma_wait3A_169] : memref<2x1600x32xf32, #tpu.memory_space<vmem>> -> memref<1x1600x32xf32, #tpu.memory_space<vmem>>
      %dma_wait3A_171 = tpu.memref_squeeze %dma_wait3A_170 : memref<1x1600x32xf32, #tpu.memory_space<vmem>> -> memref<1600x32xf32, #tpu.memory_space<vmem>>
      %dma_wait3A_172 = arith.constant 0 : i32
      %dma_wait3A_173 = tpu.memref_slice %arg5[%dma_wait3A_166, %dma_wait3A_172] : memref<2x1600xi32, #tpu.memory_space<vmem>> -> memref<1x1600xi32, #tpu.memory_space<vmem>>
      %dma_wait3A_174 = tpu.memref_squeeze %dma_wait3A_173 : memref<1x1600xi32, #tpu.memory_space<vmem>> -> memref<1600xi32, #tpu.memory_space<vmem>>
      %dma_wait3A_175 = arith.constant 0 : i32
      %dma_wait3A_176 = arith.constant 0 : i32
      %dma_wait3A_177 = tpu.memref_slice %arg3[%dma_wait3A_175, %dma_wait3A_176] : memref<1000000x32xf32, #tpu.memory_space<hbm>> -> memref<1000000x32xf32, #tpu.memory_space<hbm>>
      tpu.wait_indirect_dma semaphore(%arg9 : memref<!tpu.dma_semaphore, #tpu.memory_space<semaphore_mem>>) src(%dma_wait3A_177 : memref<1000000x32xf32, #tpu.memory_space<hbm>>) dst(%dma_wait3A_171 : memref<1600x32xf32, #tpu.memory_space<vmem>>)
      %mul3A_178 = arith.constant 1600 : i32
      %mul3A_179 = arith.muli %sub3A_165, %mul3A_178 : i32
      %add3A_180 = arith.addi %multiple_of3A, %mul3A_179 : i32
      %multiple_of3A_181 = tpu.assume_multiple %add3A_180, 8 : i32
      %dma_start3A_182 = arith.constant 0 : i32
      %dma_start3A_183 = arith.constant 0 : i32
      %dma_start3A_184 = arith.constant 0 : i32
      %dma_start3A_185 = tpu.memref_slice %arg6[%dma_start3A_182, %dma_start3A_183, %dma_start3A_184] : memref<2x1600x32xf32, #tpu.memory_space<vmem>> -> memref<1x1600x32xf32, #tpu.memory_space<vmem>>
      %dma_start3A_186 = tpu.memref_squeeze %dma_start3A_185 : memref<1x1600x32xf32, #tpu.memory_space<vmem>> -> memref<1600x32xf32, #tpu.memory_space<vmem>>
      %dma_start3A_187 = arith.constant 0 : i32
      %dma_start3A_188 = tpu.memref_slice %arg4[%multiple_of3A_181, %dma_start3A_187] : memref<819200x32xf32, #tpu.memory_space<hbm>> -> memref<1600x32xf32, #tpu.memory_space<hbm>>
      %dma_start3A_189 = arith.constant 0 : i32
      %dma_start3A_190 = tpu.memref_slice %arg4[%multiple_of3A_181, %dma_start3A_189] : memref<819200x32xf32, #tpu.memory_space<hbm>> -> memref<1600x32xf32, #tpu.memory_space<hbm>>
      %dma_start3A_191 = arith.constant 0 : i32
      %dma_start3A_192 = arith.constant 0 : i32
      %dma_start3A_193 = tpu.memref_slice %arg6[%dma_start3A_182, %dma_start3A_191, %dma_start3A_192] : memref<2x1600x32xf32, #tpu.memory_space<vmem>> -> memref<1x1600x32xf32, #tpu.memory_space<vmem>>
      %dma_start3A_194 = tpu.memref_squeeze %dma_start3A_193 : memref<1x1600x32xf32, #tpu.memory_space<vmem>> -> memref<1600x32xf32, #tpu.memory_space<vmem>>
      tpu.enqueue_dma source(%dma_start3A_194 : memref<1600x32xf32, #tpu.memory_space<vmem>>) target(%dma_start3A_190 : memref<1600x32xf32, #tpu.memory_space<hbm>>) target_semaphore(%arg11 : memref<!tpu.dma_semaphore, #tpu.memory_space<semaphore_mem>>)
      %add3A_195 = arith.constant 2 : i32
      %add3A_196 = arith.addi %sub3A_165, %add3A_195 : i32
      %lt3A = arith.constant 16 : i32
      %lt3A_197 = arith.cmpi slt, %add3A_196, %lt3A : i32
      %convert_element_type3A_198 = arith.extui %lt3A_197 : i1 to i32
      %cond3A_199 = arith.constant 0 : i32
      %cond3A_200 = arith.cmpi ne, %convert_element_type3A_198, %cond3A_199 : i32
      scf.if %cond3A_200 {
        %add3A_201 = arith.constant 2 : i32
        %add3A_202 = arith.addi %sub3A_165, %add3A_201 : i32
        %mul3A_203 = arith.constant 1600 : i32
        %mul3A_204 = arith.muli %add3A_202, %mul3A_203 : i32
        %add3A_205 = arith.addi %multiple_of3A, %mul3A_204 : i32
        %multiple_of3A_206 = tpu.assume_multiple %add3A_205, 8 : i32
        %dma_start3A_207 = arith.constant 0 : i32
        %dma_start3A_208 = arith.constant 0 : i32
        %dma_start3A_209 = tpu.memref_slice %arg5[%dma_start3A_207, %dma_start3A_208] : memref<2x1600xi32, #tpu.memory_space<vmem>> -> memref<1x1600xi32, #tpu.memory_space<vmem>>
        %dma_start3A_210 = tpu.memref_squeeze %dma_start3A_209 : memref<1x1600xi32, #tpu.memory_space<vmem>> -> memref<1600xi32, #tpu.memory_space<vmem>>
        %dma_start3A_211 = tpu.memref_slice %arg2[%multiple_of3A_206] : memref<819200xi32, #tpu.memory_space<hbm>> -> memref<1600xi32, #tpu.memory_space<hbm>>
        %dma_start3A_212 = arith.constant 0 : i32
        %dma_start3A_213 = tpu.memref_slice %arg5[%dma_start3A_207, %dma_start3A_212] : memref<2x1600xi32, #tpu.memory_space<vmem>> -> memref<1x1600xi32, #tpu.memory_space<vmem>>
        %dma_start3A_214 = tpu.memref_squeeze %dma_start3A_213 : memref<1x1600xi32, #tpu.memory_space<vmem>> -> memref<1600xi32, #tpu.memory_space<vmem>>
        %dma_start3A_215 = tpu.memref_slice %arg2[%multiple_of3A_206] : memref<819200xi32, #tpu.memory_space<hbm>> -> memref<1600xi32, #tpu.memory_space<hbm>>
        tpu.enqueue_dma source(%dma_start3A_215 : memref<1600xi32, #tpu.memory_space<hbm>>) target(%dma_start3A_214 : memref<1600xi32, #tpu.memory_space<vmem>>) target_semaphore(%arg7 : memref<!tpu.dma_semaphore, #tpu.memory_space<semaphore_mem>>)
      } else {
      }
    }
    %scan3A_34 = arith.constant 8 : i32
    %dma_wait3A = arith.constant 1 : i32
    %dma_wait3A_35 = arith.constant 1 : i32
    %dma_wait3A_36 = arith.constant 0 : i32
    %dma_wait3A_37 = arith.constant 0 : i32
    %dma_wait3A_38 = tpu.memref_slice %arg6[%dma_wait3A_35, %dma_wait3A_36, %dma_wait3A_37] : memref<2x1600x32xf32, #tpu.memory_space<vmem>> -> memref<1x1600x32xf32, #tpu.memory_space<vmem>>
    %dma_wait3A_39 = tpu.memref_squeeze %dma_wait3A_38 : memref<1x1600x32xf32, #tpu.memory_space<vmem>> -> memref<1600x32xf32, #tpu.memory_space<vmem>>
    %dma_wait3A_40 = arith.constant 0 : i32
    %dma_wait3A_41 = tpu.memref_slice %arg5[%dma_wait3A, %dma_wait3A_40] : memref<2x1600xi32, #tpu.memory_space<vmem>> -> memref<1x1600xi32, #tpu.memory_space<vmem>>
    %dma_wait3A_42 = tpu.memref_squeeze %dma_wait3A_41 : memref<1x1600xi32, #tpu.memory_space<vmem>> -> memref<1600xi32, #tpu.memory_space<vmem>>
    %dma_wait3A_43 = arith.constant 0 : i32
    %dma_wait3A_44 = arith.constant 0 : i32
    %dma_wait3A_45 = tpu.memref_slice %arg3[%dma_wait3A_43, %dma_wait3A_44] : memref<1000000x32xf32, #tpu.memory_space<hbm>> -> memref<1000000x32xf32, #tpu.memory_space<hbm>>
    tpu.wait_indirect_dma semaphore(%arg10 : memref<!tpu.dma_semaphore, #tpu.memory_space<semaphore_mem>>) src(%dma_wait3A_45 : memref<1000000x32xf32, #tpu.memory_space<hbm>>) dst(%dma_wait3A_39 : memref<1600x32xf32, #tpu.memory_space<vmem>>)
    %add3A_46 = arith.constant 24000 : i32
    %add3A_47 = arith.addi %multiple_of3A, %add3A_46 : i32
    %multiple_of3A_48 = tpu.assume_multiple %add3A_47, 8 : i32
    %dma_start3A_49 = arith.constant 1 : i32
    %dma_start3A_50 = arith.constant 0 : i32
    %dma_start3A_51 = arith.constant 0 : i32
    %dma_start3A_52 = tpu.memref_slice %arg6[%dma_start3A_49, %dma_start3A_50, %dma_start3A_51] : memref<2x1600x32xf32, #tpu.memory_space<vmem>> -> memref<1x1600x32xf32, #tpu.memory_space<vmem>>
    %dma_start3A_53 = tpu.memref_squeeze %dma_start3A_52 : memref<1x1600x32xf32, #tpu.memory_space<vmem>> -> memref<1600x32xf32, #tpu.memory_space<vmem>>
    %dma_start3A_54 = arith.constant 0 : i32
    %dma_start3A_55 = tpu.memref_slice %arg4[%multiple_of3A_48, %dma_start3A_54] : memref<819200x32xf32, #tpu.memory_space<hbm>> -> memref<1600x32xf32, #tpu.memory_space<hbm>>
    %dma_start3A_56 = arith.constant 0 : i32
    %dma_start3A_57 = tpu.memref_slice %arg4[%multiple_of3A_48, %dma_start3A_56] : memref<819200x32xf32, #tpu.memory_space<hbm>> -> memref<1600x32xf32, #tpu.memory_space<hbm>>
    %dma_start3A_58 = arith.constant 0 : i32
    %dma_start3A_59 = arith.constant 0 : i32
    %dma_start3A_60 = tpu.memref_slice %arg6[%dma_start3A_49, %dma_start3A_58, %dma_start3A_59] : memref<2x1600x32xf32, #tpu.memory_space<vmem>> -> memref<1x1600x32xf32, #tpu.memory_space<vmem>>
    %dma_start3A_61 = tpu.memref_squeeze %dma_start3A_60 : memref<1x1600x32xf32, #tpu.memory_space<vmem>> -> memref<1600x32xf32, #tpu.memory_space<vmem>>
    tpu.enqueue_dma source(%dma_start3A_61 : memref<1600x32xf32, #tpu.memory_space<vmem>>) target(%dma_start3A_57 : memref<1600x32xf32, #tpu.memory_space<hbm>>) target_semaphore(%arg12 : memref<!tpu.dma_semaphore, #tpu.memory_space<semaphore_mem>>)
    %add3A_62 = arith.constant 22400 : i32
    %add3A_63 = arith.addi %multiple_of3A, %add3A_62 : i32
    %multiple_of3A_64 = tpu.assume_multiple %add3A_63, 8 : i32
    %dma_wait3A_65 = arith.constant 0 : i32
    %dma_wait3A_66 = arith.constant 0 : i32
    %dma_wait3A_67 = arith.constant 0 : i32
    %dma_wait3A_68 = tpu.memref_slice %arg6[%dma_wait3A_65, %dma_wait3A_66, %dma_wait3A_67] : memref<2x1600x32xf32, #tpu.memory_space<vmem>> -> memref<1x1600x32xf32, #tpu.memory_space<vmem>>
    %dma_wait3A_69 = tpu.memref_squeeze %dma_wait3A_68 : memref<1x1600x32xf32, #tpu.memory_space<vmem>> -> memref<1600x32xf32, #tpu.memory_space<vmem>>
    %dma_wait3A_70 = arith.constant 0 : i32
    %dma_wait3A_71 = tpu.memref_slice %arg4[%multiple_of3A_64, %dma_wait3A_70] : memref<819200x32xf32, #tpu.memory_space<hbm>> -> memref<1600x32xf32, #tpu.memory_space<hbm>>
    %dma_wait3A_72 = arith.constant 0 : i32
    %dma_wait3A_73 = tpu.memref_slice %arg4[%multiple_of3A_64, %dma_wait3A_72] : memref<819200x32xf32, #tpu.memory_space<hbm>> -> memref<1600x32xf32, #tpu.memory_space<hbm>>
    %dma_wait3A_74 = arith.constant 0 : i32
    %dma_wait3A_75 = arith.constant 0 : i32
    %dma_wait3A_76 = tpu.memref_slice %arg6[%dma_wait3A_65, %dma_wait3A_74, %dma_wait3A_75] : memref<2x1600x32xf32, #tpu.memory_space<vmem>> -> memref<1x1600x32xf32, #tpu.memory_space<vmem>>
    %dma_wait3A_77 = tpu.memref_squeeze %dma_wait3A_76 : memref<1x1600x32xf32, #tpu.memory_space<vmem>> -> memref<1600x32xf32, #tpu.memory_space<vmem>>
    tpu.wait_dma2 semaphore(%arg11 : memref<!tpu.dma_semaphore, #tpu.memory_space<semaphore_mem>>) src(%dma_wait3A_77 : memref<1600x32xf32, #tpu.memory_space<vmem>>) dst(%dma_wait3A_73 : memref<1600x32xf32, #tpu.memory_space<hbm>>)
    %add3A_78 = arith.constant 24000 : i32
    %add3A_79 = arith.addi %multiple_of3A, %add3A_78 : i32
    %multiple_of3A_80 = tpu.assume_multiple %add3A_79, 8 : i32
    %dma_wait3A_81 = arith.constant 1 : i32
    %dma_wait3A_82 = arith.constant 0 : i32
    %dma_wait3A_83 = arith.constant 0 : i32
    %dma_wait3A_84 = tpu.memref_slice %arg6[%dma_wait3A_81, %dma_wait3A_82, %dma_wait3A_83] : memref<2x1600x32xf32, #tpu.memory_space<vmem>> -> memref<1x1600x32xf32, #tpu.memory_space<vmem>>
    %dma_wait3A_85 = tpu.memref_squeeze %dma_wait3A_84 : memref<1x1600x32xf32, #tpu.memory_space<vmem>> -> memref<1600x32xf32, #tpu.memory_space<vmem>>
    %dma_wait3A_86 = arith.constant 0 : i32
    %dma_wait3A_87 = tpu.memref_slice %arg4[%multiple_of3A_80, %dma_wait3A_86] : memref<819200x32xf32, #tpu.memory_space<hbm>> -> memref<1600x32xf32, #tpu.memory_space<hbm>>
    %dma_wait3A_88 = arith.constant 0 : i32
    %dma_wait3A_89 = tpu.memref_slice %arg4[%multiple_of3A_80, %dma_wait3A_88] : memref<819200x32xf32, #tpu.memory_space<hbm>> -> memref<1600x32xf32, #tpu.memory_space<hbm>>
    %dma_wait3A_90 = arith.constant 0 : i32
    %dma_wait3A_91 = arith.constant 0 : i32
    %dma_wait3A_92 = tpu.memref_slice %arg6[%dma_wait3A_81, %dma_wait3A_90, %dma_wait3A_91] : memref<2x1600x32xf32, #tpu.memory_space<vmem>> -> memref<1x1600x32xf32, #tpu.memory_space<vmem>>
    %dma_wait3A_93 = tpu.memref_squeeze %dma_wait3A_92 : memref<1x1600x32xf32, #tpu.memory_space<vmem>> -> memref<1600x32xf32, #tpu.memory_space<vmem>>
    tpu.wait_dma2 semaphore(%arg12 : memref<!tpu.dma_semaphore, #tpu.memory_space<semaphore_mem>>) src(%dma_wait3A_93 : memref<1600x32xf32, #tpu.memory_space<vmem>>) dst(%dma_wait3A_89 : memref<1600x32xf32, #tpu.memory_space<hbm>>)
    return
  }
}

</mosaic_0001>

<sc_bundles>
// kernel: kernel.3.cloned.1.call-start
scs
__scs_entry_jumppad:
0x0: {  	(pc) =	sbr.rel $0x88, $3  }
0x1: {  	(tag) =	ssettag $0x0;
	lr =	simm.s32 $0x1  }
0x2: {  	[smem:$0x3F9F] =	sst lr;
	_ =	strace $0xD0000000  }
0x3: {  	_ = 	snop  }
0x4: {  	_ = 	snop  }
0x5: {  	_ = 	snop  }
0x6: {  	_ = 	snop  }
0x7: {  	_ = 	snop  }
__scs_overlays_trampoline_lowered:
0x8: {  	[smem:$0x3FAE] =	sst s0  }
0x9: {  	[smem:$0x3FAF] =	sst s1  }
0xa: {  	[smem:$0x3FB0] =	sst s2  }
0xb: {  	[smem:$0x3FB1] =	sst s3  }
0xc: {  	[smem:$0x3FB2] =	sst s4  }
0xd: {  	[smem:$0x3FB3] =	sst s5  }
0xe: {  	[smem:$0x3FB4] =	sst s6  }
0xf: {  	[smem:$0x3FB5] =	sst s7  }
0x10: {  	[smem:$0x3FB6] =	sst s8  }
0x11: {  	[smem:$0x3FB7] =	sst s9;
	s0 =	simm.s32 @!p0 $0x0  }
0x12: {  	s1 =	sld [smem:$0x3F9D];
	s0 =	simm.s32 @p0 $0x1  }
0x13: {  	[smem:$0x3FB8] =	sst s0;
	s0 =	simm.s32 @!p1 $0x0  }
0x14: {  	s2 =	sld [smem:$0x3F9C];
	s0 =	simm.s32 @p1 $0x1  }
0x15: {  	[smem:$0x3FB9] =	sst s0;
	s0 =	simm.s32 @!p2 $0x0  }
0x16: {  	s3 =	sld [smem:$0x3FDB];
	s0 =	simm.s32 @p2 $0x1  }
0x17: {  	s4 =	simm.s32 $0x1BF5;
	[smem:$0x3FBB] =	sst s0  }
0x18: {  	s0 =	sld [smem:$0x3F9E];
	_ =	swait.ge [sflag:s4], $0x0  }
0x19: {  	s7 =	sld [smem:$0x3F9F]  }
0x1a: {  	s8 =	sadd.s32 $0xFFFFE003, lr  }
0x1b: {  	s9 =	sadd.s32 $0xFFFFFEF7, lr;
	s5 =	simm.s32 $0xFFFFFFFF;
	p2 =	slt.u32 s8, $0xFFFFF086  }
0x1c: {  	p1 =	slt.u32 s9, $0xF7A;
	s5 =	simm.s32 @!p2 $0x0  }
0x1d: {  	s5 =	simm.s32 @p1 $0x1;
	p0 =	seq.s32 s7, s2  }
0x1e: {  	s7 =	smul.u32 @!p0 $0xF7A, s2;
	p2 =	seq.s32 @!p0 s5, $0x0  }
0x1f: {  	s9 =	smul.u32 $0xF7A, s1;
	s8 =	simm.s32 @!p0 $0x1BF5;
	p2 =	por !p2, p0  }
0x20: {  	[sflag:s8] =	ssyncset.s32 @!p0 $0xFFFFF086;
	s6 =	sadd.s32 @!p0 s3, s7;
	s7 =	simm.s32 @!p0 $0x108  }
0x21: {  	s3 =	sadd.s32 s3, s9;
	s6 =	sadd.s32 @!p0 $0x88, s6;
	s7 =	simm.s32 @p2 $0x1082  }
0x22: {  	[simem:s7], [sflag:s8] =	dma.local @!p0 [hbm:s6], $0xF7A  }
0x23: {  	s9 =	sor.u32 $0xD0000000, s2;
	s6 =	simm.s32 $0x108;
	_ =	swait.ge @!p0 [sflag:s8], $0x0  }
0x24: {  	s3 =	sadd.s32 $0x88, s3;
	s6 =	simm.s32 @!p1 $0x1082;
	[sflag:s4] =	ssyncset.s32 $0xFFFFF086  }
0x25: {  	[simem:s6], [sflag:s4] =	dma.local [hbm:s3], $0xF7A  }
0x26: {  	[smem:$0x3F9F] =	sst s1;
	(tag) =	ssettag s2;
	_ =	strace s9  }
0x27: {  	s1 =	sld [smem:$0x3FAF]  }
0x28: {  	s2 =	sld [smem:$0x3FB0]  }
0x29: {  	s4 =	sld [smem:$0x3FB2]  }
0x2a: {  	p0 =	seq.s32 s5, $0x0;
	s5 =	sld [smem:$0x3FB3]  }
0x2b: {  	s6 =	sld [smem:$0x3FB4]  }
0x2c: {  	s7 =	sld [smem:$0x3FB5]  }
0x2d: {  	s3 =	simm.s32 $0x108;
	s8 =	sld [smem:$0x3FB6]  }
0x2e: {  	s3 =	simm.s32 @!p0 $0x1082;
	s9 =	sld [smem:$0x3FB7]  }
0x2f: {  	lr =	sadd.s32 s0, s3;
	s0 =	sld [smem:$0x3FAE]  }
0x30: {  	s3 =	sld [smem:$0x3FB1]  }
0x31: {  	[smem:$0x3FBA] =	sst s10  }
0x32: {  	s10 =	sld [smem:$0x3FB8];
	_ =	sdelay $0x3  }
0x33: {  	p0 =	seq.s32 s10, $0x1;
	s10 =	sld [smem:$0x3FBA];
	_ =	sdelay $0x3  }
0x34: {  	[smem:$0x3FBA] =	sst s10  }
0x35: {  	s10 =	sld [smem:$0x3FB9];
	_ =	sdelay $0x3  }
0x36: {  	p1 =	seq.s32 s10, $0x1;
	s10 =	sld [smem:$0x3FBA];
	_ =	sdelay $0x3  }
0x37: {  	[smem:$0x3FBA] =	sst s10  }
0x38: {  	s10 =	sld [smem:$0x3FBB]  }
0x39: {  	_ = 	snop;
	(pc) =	sbr.ind lr, $3  }
0x3a: {  	_ = 	snop  }
0x3b: {  	_ = 	snop  }
0x3c: {  	p2 =	seq.s32 s10, $0x1;
	s10 =	sld [smem:$0x3FBA]  }
0x3d: {  	_ =	shalt  }
0x3e: {  	_ =	shalt  }
0x3f: {  	_ =	shalt  }
0x40: {  	_ =	shalt  }
0x41: {  	_ =	shalt  }
0x42: {  	_ =	shalt  }
0x43: {  	_ =	shalt  }
0x44: {  	_ =	shalt  }
0x45: {  	_ =	shalt  }
0x46: {  	_ =	shalt  }
0x47: {  	_ =	shalt  }
0x48: {  	_ =	shalt  }
0x49: {  	_ =	shalt  }
0x4a: {  	_ =	shalt  }
0x4b: {  	_ =	shalt  }
0x4c: {  	_ =	shalt  }
0x4d: {  	_ =	shalt  }
0x4e: {  	_ =	shalt  }
0x4f: {  	_ =	shalt  }
0x50: {  	_ =	shalt  }
0x51: {  	_ =	shalt  }
0x52: {  	_ =	shalt  }
0x53: {  	_ =	shalt  }
0x54: {  	_ =	shalt  }
0x55: {  	_ =	shalt  }
0x56: {  	_ =	shalt  }
0x57: {  	_ =	shalt  }
0x58: {  	_ =	shalt  }
0x59: {  	_ =	shalt  }
0x5a: {  	_ =	shalt  }
0x5b: {  	_ =	shalt  }
0x5c: {  	_ =	shalt  }
0x5d: {  	_ =	shalt  }
0x5e: {  	_ =	shalt  }
0x5f: {  	_ =	shalt  }
0x60: {  	_ =	shalt  }
0x61: {  	_ =	shalt  }
0x62: {  	_ =	shalt  }
0x63: {  	_ =	shalt  }
0x64: {  	_ =	shalt  }
0x65: {  	_ =	shalt  }
0x66: {  	_ =	shalt  }
0x67: {  	_ =	shalt  }
0x68: {  	_ =	shalt  }
0x69: {  	_ =	shalt  }
0x6a: {  	_ =	shalt  }
0x6b: {  	_ =	shalt  }
0x6c: {  	_ =	shalt  }
0x6d: {  	_ =	shalt  }
0x6e: {  	_ =	shalt  }
0x6f: {  	_ =	shalt  }
0x70: {  	_ =	shalt  }
0x71: {  	_ =	shalt  }
0x72: {  	_ =	shalt  }
0x73: {  	_ =	shalt  }
0x74: {  	_ =	shalt  }
0x75: {  	_ =	shalt  }
0x76: {  	_ =	shalt  }
0x77: {  	_ =	shalt  }
0x78: {  	_ =	shalt  }
0x79: {  	_ =	shalt  }
0x7a: {  	_ =	shalt  }
0x7b: {  	_ =	shalt  }
0x7c: {  	_ =	shalt  }
0x7d: {  	_ =	shalt  }
0x7e: {  	_ =	shalt  }
0x7f: {  	_ =	shalt  }
0x80: {  	_ =	shalt  }
0x81: {  	_ =	shalt  }
0x82: {  	_ =	shalt  }
0x83: {  	_ =	shalt  }
0x84: {  	_ =	shalt  }
0x85: {  	_ =	shalt  }
0x86: {  	_ =	shalt  }
0x87: {  	_ =	shalt  }
.Lfunc_end0:
.L_simem_size_0:
called_computation.1_lowered:
.L_overlay_start_0:
0x88: {  	s2 =	sld [smem:$0x3FD9]  }
0x89: {  	s3 =	sld [smem:$0x3FFE];
	_ =	sdelay $0x1  }
0x8a: {  	s1 =	srdreg.scid  }
0x8b: {  	s0 =	sand.u32 $0x1, s1  }
0x8c: {  	s17 =	sshll.u32 s0, $0xA;
	s2 =	sadd.s32 s3, s2  }
0x8d: {  	s2 =	sadd.s32 s2, s17  }
0x8e: {  	[smem:$0x3FC6] =	sst s2  }
0x8f: {  	_ = 	snop  }
0x90: {  	s2 =	sld [smem:$0x3FD0];
	(tm) =	ssettm $0x1  }
0x91: {  	s18 =	sld [smem:$0x3FFB];
	_ =	sdelay $0x3  }
0x92: {  	_ =	strace s18  }
0x93: {  	s3 =	sld [smem:$0x3FFC];
	_ =	sdelay $0x3  }
0x94: {  	_ =	strace s3  }
0x95: {  	s3 =	sld [smem:$0x3FFD];
	_ =	sdelay $0x3  }
0x96: {  	_ =	strace s3  }
0x97: {  	_ =	strace $0x8FFFFFFF  }
0x98: {  	s19 =	sld [smem:$0x3FDB];
	_ =	sdelay $0x1  }
0x99: {  	s4 =	simm.s32 $_scs_section_size  }
0x9a: {  	s5 =	simm.s32 $_size__tile_overlayer_lowered;
	s6 =	simm.s32 $_tile_overlayer_lowered  }
0x9b: {  	s22 =	simm.s32 $0x1BFF;
	s21 =	sshll.u32 s6, $0x1;
	s3 =	sadd.s32 s4, s19  }
0x9c: {  	s7 =	simm.s32 $0x0;
	s20 =	sshll.u32 s5, $0x1;
	s5 =	sadd.s32 s21, s3  }
0x9d: {  	[timem:s7], [sflag:s22] =	dma.local [hbm:s5], s20  }
0x9e: {  	_ =	swait.ge [sflag:s22], s20  }
0x9f: {  	s4 =	ssub.s32 $0x0, s20;
	[sflag:s22] =	ssyncset.done $0x0  }
0xa0: {  	[sflag:s22] =	ssyncadd.s32 s4;
	_ =	sdelay $0x1  }
0xa1: {  	s23 =	simm.s32 $0x1B8B  }
0xa2: {  	_ =	swait.ge [sflag:s23], $0x1  }
0xa3: {  	[sflag:s23] =	ssyncset.done $0x0  }
0xa4: {  	s25 =	simm.s32 $0x1B8E;
	s24 =	sld [smem:$0x3FFE];
	[sflag:s23] =	ssyncadd.s32 $0xFFFFFFFF  }
0xa5: {  	s26 =	simm.s32 $execute0_lowered;
	[smem:$0x3FD2] =	sst s25  }
0xa6: {  	s5 =	sshll.u32 s26, $0x1;
	_ =	strace $0x80000046;
	[dreg:$0x1] =	wrdreg $0xFFFFFFFF  }
0xa7: {  	s28 =	simm.s32 $_size_execute0_lowered;
	s3 =	sadd.s32 s3, s5;
	[dreg:$0x0] =	wrdreg $0x0  }
0xa8: {  	s5 =	sshll.u32 s28, $0x1;
	[dreg:$0x2] =	wrdreg s3  }
0xa9: {  	[dreg:$0x3] =	wrdreg s5  }
0xaa: {  	[dreg:$0x4] =	wrdreg $0xC0  }
0xab: {  	_ =	task [dreg:s7], $0x5FFFF  }
0xac: {  	[dreg:$0x1] =	wrdreg $0xFFFFFFFF  }
0xad: {  	[dreg:$0x0] =	wrdreg $0x60  }
0xae: {  	[dreg:$0x2] =	wrdreg s24  }
0xaf: {  	[dreg:$0x3] =	wrdreg s2  }
0xb0: {  	[dreg:$0x4] =	wrdreg $0x9  }
0xb1: {  	_ =	task.clear_ibuf [dreg:s7], $0x5FFFF;
	_ =	strace $0x90000046  }
0xb2: {  	s29 =	simm.s32 $0x9;
	_ =	strace $0x80000048  }
0xb3: {  	_ =	swait.ge [sflag:s29], $0x1  }
0xb4: {  	[sflag:s29] =	ssyncadd.s32 $0xFFFFFFFF  }
0xb5: {  	_ =	strace $0x90000048  }
0xb6: {  	_ =	sfence  }
0xb7: {  	s30 =	sld [smem:$0x0];
	_ =	sdelay $0x2  }
0xb8: {  	s31 =	sshll.u32 s1, $0xD;
	s1 =	sshrl.u32 s1, $0x2  }
0xb9: {  	s3 =	sand.u32 $0x4000, s31;
	s1 =	sadd.s32 s1, s30  }
0xba: {  	s0 =	sor.u32 s3, s0;
	s1 =	sshll.u32 s1, $0x11  }
0xbb: {  	s0 =	sor.u32 s1, s0  }
0xbc: {  	s0 =	sadd.s32 $0x8F2B, s0  }
0xbd: {  	[sflag:s0] =	ssyncadd.remote.s32 $0x1  }
0xbe: {  	_ =	sfence.sel $0xFFFF  }
0xbf: {  	[dreg:$0x0] =	wrdreg $0xFFFFFFFF;
	(pc) =	sbr.abs _section_cstart, $3  }
0xc0: {  	[dreg:$0x1] =	wrdreg $0xFFFFFFFF  }
0xc1: {  	_ =	task.clear_ibuf [dreg:s7], $0x2FFFF;
	_ =	strace $0x9FFFFFFF  }
0xc2: {  	(tm) =	ssettm $0x7FFFFFFF  }
0xc3: {  	_ =	shalt  }
tec
execute0_lowered:
.L_overlay_start_1:
0x0: {  	(tag) =	ssettag $0x1  }
0x1: {  	s3 =	rddreg [dreg:$0x0]  }
0x2: {  	s1 =	srdreg.scid;
	s0 =	stileid.u32  }
0x3: {  	s12 =	rddreg [dreg:$0x1];
	s2 =	simm.s32 $0x0;
	s18 =	simm.s32 $0xD480  }
0x4: {  	s19 =	simm.s32 $0x3;
	s20 =	simm.s32 $0x5;
	s21 =	simm.s32 $0x4  }
0x5: {  	s22 =	simm.s32 $0x6;
	s23 =	simm.s32 $0x0;
	s8 =	smul.u32 $0xC800, s0  }
0x6: {  	s11 =	sand.u32 $0x1, s1;
	s1 =	rddreg [dreg:$0x2];
	s15 =	smul.u32 $0x32000, s0  }
0x7: {  	s4 =	sshll.u32 s0, $0x1;
	[smem:$0x7FF] =	sst s2;
	s10 =	smul.u32 $0x6400, s11  }
0x8: {  	s13 =	sadd.s32 $0xA00, s3;
	s5 =	sor.u32 s11, s4;
	s17 =	smul.u32 $0x19000, s11  }
0x9: {  	s3 =	sadd.s32 $0xF42E00, s3;
	s7 =	ssub.s32 $0x2, s11;
	s4 =	smul.u32 $0x6400, s5  }
0xa: {  	_ =	strace $0x80000047;
	s6 =	smul.u32 $0xC8000, s5;
	s9 =	sshrl.u32 s7, $0x1  }
0xb: {  	s28 =	smul.u32 $0x19000, s5;
	s15 =	sadd.s32 s15, s12;
	s7 =	ssub.s32 s7, s9  }
0xc: {  	s14 =	sadd.s32 s10, s8;
	s31 =	sadd.s32 s17, s15;
	s15 =	simm.s32 $0x1  }
0xd: {  	s17 =	simm.s32 $0x2;
	s4 =	sshrl.u32 s4, $0x3;
	s6 =	sshrl.u32 s6, $0x3  }
0xe: {  	s10 =	sadd.s32 $0x1900, s14;
	s7 =	smax.u32 s7, $0x1;
	s8 =	sadd.s32 s12, s28  }
0xf: {  	s16 =	sadd.s32 $0x12C0, s14;
	s14 =	sshll.u32 s14, $0x2;
	s4 =	sadd.s32 s13, s4  }
.Ltmp0:
0x10: {  	s6 =	sadd.s32 s12, s6;
	s10 =	sshrl.u32 s10, $0x3;
	(pc) =	sbr.rel .LBB2_1-.Ltmp0, $4  }
0x11: {  	s29 =	sshrl.u32 s16, $0x3;
	s14 =	sadd.s32 $0x20001900, s14;
	s16 =	simm.s32 $0xC80  }
0x12: {  	s5 =	sadd.s32 $0xC8, s4;
	s6 =	sadd.s32 $0x17700, s6;
	s9 =	sadd.s32 $0x190, s4  }
0x13: {  	s10 =	sadd.s32 s10, s13;
	s11 =	sadd.s32 s29, s13;
	s30 =	sand.u32 $0xFFF900, s14  }
0x14: {  	s13 =	sadd.s32 $0x3200, s31;
	s14 =	simm.s32 $0x640;
	s12 =	sadd.s32 s30, s12  }
.LBB2_4:
0x15: {  	_ =	swait.ge [sflag:s21], $0xC800  }
0x16: {  	[sflag:s21] =	ssyncset.done $0x0  }
0x17: {  	s23 =	sadd.s32 $0x1, s23;
	[sflag:s21] =	ssyncadd.s32 $0xFFFF3800  }
0x18: {  	[hbm4b:s6+s2] =	stream.linear.scatter [tilespmem:s18], [sflag:$0x6], $0xC800, $0x38;
	[tilespmem:$0x19C80] =	vst v63  }
0x19: {  	p0 =	sne.s32 s23, s7;
	_ =	swait.ge [sflag:s20], $0xC800  }
.Ltmp1:
0x1a: {  	[sflag:s20] =	ssyncset.done $0x0;
	(pc) =	sbr.rel @!p0 .LBB2_5-.Ltmp1, $4  }
0x1b: {  	[sflag:s20] =	ssyncadd.s32 $0xFFFF3800  }
0x1c: {  	_ =	swait.ge [sflag:s22], $0xC800  }
0x1d: {  	[sflag:s22] =	ssyncset.done $0x0  }
0x1e: {  	[sflag:s22] =	ssyncadd.s32 $0xFFFF3800  }
.LBB2_1:
0x1f: {  	[tilespmem:s2], [sflag:$0x1] =	stream.linear.gather [hbm4b:s4+s2], $0x640, $0x38;
	[tilespmem:$0x19C80] =	vst v63  }
0x20: {  	_ = 	snop  }
0x21: {  	[tilespmem:s14], [sflag:$0x2] =	stream.linear.gather [hbm4b:s5+s2], $0x640, $0x38;
	[tilespmem:$0x19C80] =	vst v63  }
0x22: {  	_ =	swait.ge [sflag:s15], $0x640  }
0x23: {  	[sflag:s15] =	ssyncset.done $0x0  }
0x24: {  	[sflag:s15] =	ssyncadd.s32 $0xFFFFF9C0  }
0x25: {  	[tilespmem:s16], [sflag:$0x3] =	stream.indirect.gather [hbm4b:s3+s14], $0x20, s2, s14, $0xb8;
	[tilespmem:$0x19C80] =	vst v63  }
0x26: {  	_ =	swait.ge [sflag:s17], $0x640  }
0x27: {  	[sflag:s17] =	ssyncset.done $0x0  }
0x28: {  	[sflag:s17] =	ssyncadd.s32 $0xFFFFF9C0  }
0x29: {  	[tilespmem:s18], [sflag:$0x4] =	stream.indirect.gather [hbm4b:s3+s14], $0x20, s14, s14, $0xb8;
	[tilespmem:$0x19C80] =	vst v63  }
0x2a: {  	_ =	swait.ge [sflag:s19], $0xC800  }
0x2b: {  	[sflag:s19] =	ssyncset.done $0x0  }
0x2c: {  	[sflag:s19] =	ssyncadd.s32 $0xFFFF3800  }
0x2d: {  	[hbm4b:s8+s2] =	stream.linear.scatter [tilespmem:s16], [sflag:$0x5], $0xC800, $0x38;
	[tilespmem:$0x19C80] =	vst v63  }
0x2e: {  	s24 =	smov.u32 s13;
	s25 =	smov.u32 s12;
	s26 =	simm.s32 $0x0  }
0x2f: {  	[tilespmem:s2], [sflag:$0x1] =	stream.linear.gather [hbm4b:s9+s2], $0x640, $0x38;
	[tilespmem:$0x19C80] =	vst v63  }
.LBB2_2:
0x30: {  	_ =	swait.ge [sflag:s15], $0x640  }
0x31: {  	[sflag:s15] =	ssyncset.done $0x0  }
0x32: {  	[sflag:s15] =	ssyncadd.s32 $0xFFFFF9C0  }
0x33: {  	_ =	swait.ge [sflag:s20], $0xC800  }
0x34: {  	[sflag:s20] =	ssyncset.done $0x0  }
0x35: {  	[sflag:s20] =	ssyncadd.s32 $0xFFFF3800  }
0x36: {  	[tilespmem:s16], [sflag:$0x3] =	stream.indirect.gather [hbm4b:s3+s14], $0x20, s2, s14, $0xb8;
	[tilespmem:$0x19C80] =	vst v63  }
0x37: {  	_ =	swait.ge [sflag:s21], $0xC800  }
0x38: {  	[sflag:s21] =	ssyncset.done $0x0  }
0x39: {  	[sflag:s21] =	ssyncadd.s32 $0xFFFF3800  }
0x3a: {  	[hbm4b:s25+s2] =	stream.linear.scatter [tilespmem:s18], [sflag:$0x6], $0xC800, $0x38;
	[tilespmem:$0x19C80] =	vst v63  }
0x3b: {  	s28 =	sadd.s32 s26, s11  }
0x3c: {  	[tilespmem:s14], [sflag:$0x2] =	stream.linear.gather [hbm4b:s28+s2], $0x640, $0x38;
	[tilespmem:$0x19C80] =	vst v63  }
0x3d: {  	_ =	swait.ge [sflag:s17], $0x640  }
0x3e: {  	[sflag:s17] =	ssyncset.done $0x0  }
0x3f: {  	[sflag:s17] =	ssyncadd.s32 $0xFFFFF9C0  }
0x40: {  	_ =	swait.ge [sflag:s22], $0xC800  }
0x41: {  	[sflag:s22] =	ssyncset.done $0x0  }
0x42: {  	p0 =	seq.s32 s26, $0x960;
	[sflag:s22] =	ssyncadd.s32 $0xFFFF3800  }
0x43: {  	[tilespmem:s18], [sflag:$0x4] =	stream.indirect.gather [hbm4b:s3+s14], $0x20, s14, s14, $0xb8;
	[tilespmem:$0x19C80] =	vst v63  }
.Ltmp2:
0x44: {  	_ = 	snop;
	(pc) =	sbr.rel @p0 .LBB2_4-.Ltmp2, $4  }
0x45: {  	_ =	swait.ge [sflag:s19], $0xC800  }
0x46: {  	[sflag:s19] =	ssyncset.done $0x0  }
0x47: {  	[sflag:s19] =	ssyncadd.s32 $0xFFFF3800  }
0x48: {  	[hbm4b:s24+s2] =	stream.linear.scatter [tilespmem:s16], [sflag:$0x5], $0xC800, $0x38;
	[tilespmem:$0x19C80] =	vst v63  }
.Ltmp3:
0x49: {  	(pc) =	sbr.rel .LBB2_2-.Ltmp3, $4  }
0x4a: {  	_ = 	snop  }
0x4b: {  	s28 =	sadd.s32 s26, s10  }
0x4c: {  	s26 =	sadd.s32 $0x190, s26;
	s25 =	sadd.s32 $0x3200, s25;
	s24 =	sadd.s32 $0x3200, s24  }
0x4d: {  	[tilespmem:s2], [sflag:$0x1] =	stream.linear.gather [hbm4b:s28+s2], $0x640, $0x38;
	[tilespmem:$0x19C80] =	vst v63  }
.LBB2_5:
0x4e: {  	_ =	sfence.sel $0x180000  }
0x4f: {  	[bflag:$0x0] =	sbarrier.arrive $0xFFFF  }
0x50: {  	p0 =	sne.s32 s0, $0x0;
	_ =	strace $0x90000047  }
0x51: {  	s0 =	sadd.s32 @!p0 $0x100000, s1;
	[bflag:$0x2] =	sbarrier.arrive $0xFFFF  }
0x52: {  	[sflag:s0] =	ssyncadd.tile.s32 @!p0 $0x1;
	_ =	shalt  }
.Lfunc_end2:
_tile_overlayer_lowered:
.L_overlay_start_2:
0x53: {  	(tag) =	ssettag $0x2  }
0x54: {  	s0 =	rddreg [dreg:$0x0];
	s2 =	stileid.u32  }
0x55: {  	s1 =	rddreg [dreg:$0x1];
	p0 =	sne.s32 s2, $0x0  }
0x56: {  	s3 =	rddreg [dreg:$0x2];
	[bflag:$0x3] =	sbarrier.arrive $0xFFFF;
	s2 =	simm.s32 @!p0 $0x1C07  }
0x57: {  	[timem:s3], [sflag:s2] =	dma.local @!p0 [hbm:s0], s1  }
0x58: {  	s0 =	simm.s32 @!p0 $0x7  }
0x59: {  	_ =	swait.ge @!p0 [sflag:s0], s1  }
0x5a: {  	s1 =	ssub.s32 @!p0 $0x0, s1;
	[sflag:s0] =	ssyncset.done @!p0 $0x0  }
0x5b: {  	[sflag:s0] =	ssyncadd.s32 @!p0 s1  }
0x5c: {  	[bflag:$0x3] =	sbarrier.arrive $0xFFFF  }
0x5d: {  	_ =	shalt  }

// kernel: sparse-core-data-format-call.cloned.1.call-start
scs
called_computation_lowered:
.L_overlay_start_0:
0x0: {  	s2 =	sld [smem:$0x3FD9]  }
0x1: {  	s3 =	sld [smem:$0x3FFE];
	_ =	sdelay $0x1  }
0x2: {  	s1 =	srdreg.scid  }
0x3: {  	s0 =	sand.u32 $0x1, s1  }
0x4: {  	s18 =	sshll.u32 s0, $0xA;
	s2 =	sadd.s32 s3, s2  }
0x5: {  	s2 =	sadd.s32 s2, s18  }
0x6: {  	[smem:$0x3FC6] =	sst s2  }
0x7: {  	_ = 	snop  }
0x8: {  	s2 =	sld [smem:$0x3FD0];
	(tm) =	ssettm $0x1  }
0x9: {  	s19 =	sld [smem:$0x3FFB];
	_ =	sdelay $0x3  }
0xa: {  	_ =	strace s19  }
0xb: {  	s3 =	sld [smem:$0x3FFC];
	_ =	sdelay $0x3  }
0xc: {  	_ =	strace s3  }
0xd: {  	s3 =	sld [smem:$0x3FFD];
	_ =	sdelay $0x3  }
0xe: {  	_ =	strace s3  }
0xf: {  	_ =	strace $0x8FFFFFFF  }
0x10: {  	s20 =	sld [smem:$0x3FDB];
	_ =	sdelay $0x1  }
0x11: {  	s4 =	simm.s32 $_scs_section_size  }
0x12: {  	s5 =	simm.s32 $_size__tile_overlayer_lowered;
	s6 =	simm.s32 $_tile_overlayer_lowered  }
0x13: {  	s23 =	simm.s32 $0x1BFF;
	s22 =	sshll.u32 s6, $0x1;
	s3 =	sadd.s32 s4, s20  }
0x14: {  	s7 =	simm.s32 $0x0;
	s21 =	sshll.u32 s5, $0x1;
	s5 =	sadd.s32 s22, s3  }
0x15: {  	[timem:s7], [sflag:s23] =	dma.local [hbm:s5], s21  }
0x16: {  	_ =	swait.ge [sflag:s23], s21  }
0x17: {  	s4 =	ssub.s32 $0x0, s21;
	[sflag:s23] =	ssyncset.done $0x0  }
0x18: {  	[sflag:s23] =	ssyncadd.s32 s4;
	_ =	sdelay $0x1  }
0x19: {  	s24 =	simm.s32 $0x1B8B  }
0x1a: {  	_ =	swait.ge [sflag:s24], $0x1  }
0x1b: {  	[sflag:s24] =	ssyncset.done $0x0  }
0x1c: {  	s26 =	simm.s32 $0x1B8E;
	s25 =	sld [smem:$0x3FFE];
	[sflag:s24] =	ssyncadd.s32 $0xFFFFFFFF  }
0x1d: {  	s27 =	simm.s32 $execute0_lowered;
	[smem:$0x3FD2] =	sst s26  }
0x1e: {  	s5 =	sshll.u32 s27, $0x1;
	_ =	strace $0x80000049;
	[dreg:$0x1] =	wrdreg $0xFFFFFFFF  }
0x1f: {  	s28 =	simm.s32 $_size_execute0_lowered;
	s3 =	sadd.s32 s3, s5;
	[dreg:$0x0] =	wrdreg $0x0  }
0x20: {  	s5 =	sshll.u32 s28, $0x1;
	[dreg:$0x2] =	wrdreg s3  }
0x21: {  	[dreg:$0x3] =	wrdreg s5  }
0x22: {  	[dreg:$0x4] =	wrdreg $0xC0  }
0x23: {  	_ =	task [dreg:s7], $0x5FFFF  }
0x24: {  	[dreg:$0x1] =	wrdreg $0xFFFFFFFF  }
0x25: {  	[dreg:$0x0] =	wrdreg $0x60  }
0x26: {  	[dreg:$0x2] =	wrdreg s25  }
0x27: {  	[dreg:$0x3] =	wrdreg s2  }
0x28: {  	[dreg:$0x4] =	wrdreg $0x9  }
0x29: {  	_ =	task.clear_ibuf [dreg:s7], $0x5FFFF;
	_ =	strace $0x90000049  }
0x2a: {  	s29 =	simm.s32 $0x9;
	_ =	strace $0x8000004B  }
0x2b: {  	_ =	swait.ge [sflag:s29], $0x1  }
0x2c: {  	[sflag:s29] =	ssyncadd.s32 $0xFFFFFFFF  }
0x2d: {  	_ =	strace $0x9000004B  }
0x2e: {  	_ =	sfence  }
0x2f: {  	s30 =	sld [smem:$0x0];
	_ =	sdelay $0x2  }
0x30: {  	s31 =	sshll.u32 s1, $0xD;
	s1 =	sshrl.u32 s1, $0x2  }
0x31: {  	s3 =	sand.u32 $0x4000, s31;
	s1 =	sadd.s32 s1, s30  }
0x32: {  	s0 =	sor.u32 s3, s0;
	s1 =	sshll.u32 s1, $0x11  }
0x33: {  	s0 =	sor.u32 s1, s0  }
0x34: {  	s0 =	sadd.s32 $0x8F2B, s0  }
0x35: {  	[sflag:s0] =	ssyncadd.remote.s32 $0x1  }
0x36: {  	_ =	sfence.sel $0xFFFF  }
0x37: {  	[dreg:$0x0] =	wrdreg $0xFFFFFFFF;
	(pc) =	sbr.abs _section_cstart, $3  }
0x38: {  	[dreg:$0x1] =	wrdreg $0xFFFFFFFF  }
0x39: {  	_ =	task.clear_ibuf [dreg:s7], $0x2FFFF;
	_ =	strace $0x9FFFFFFF  }
0x3a: {  	(tm) =	ssettm $0x7FFFFFFF  }
0x3b: {  	_ =	shalt  }
tec
execute0_lowered:
.L_overlay_start_1:
0x0: {  	(tag) =	ssettag $0x1  }
0x1: {  	s0 =	srdreg.scid  }
0x2: {  	s1 =	sshll.u32 s0, $0x4  }
0x3: {  	s0 =	stileid.u32;
	s1 =	sand.u32 $0x10, s1  }
0x4: {  	s1 =	sor.u32 s0, s1  }
0x5: {  	s6 =	rddreg [dreg:$0x0];
	s4 =	simm.s32 $0x1;
	s2 =	sshll.u32 s1, $0x7  }
0x6: {  	s7 =	simm.s32 $0x2;
	s12 =	simm.s32 $0x0;
	s1 =	ssub.s32 $0x1000, s2  }
0x7: {  	s8 =	simm.s32 $0x8000;
	s13 =	simm.s32 $0x0;
	s3 =	sand.u32 $0xF80, s1  }
0x8: {  	s9 =	simm.s32 $0x0;
	s5 =	sshrl.u32 s1, $0xC;
	p0 =	sne.s32 s3, $0x0  }
.Ltmp0:
0x9: {  	s1 =	rddreg [dreg:$0x2];
	s4 =	simm.s32 @!p0 $0x0;
	(pc) =	sbr.rel .LBB1_1-.Ltmp0, $4  }
0xa: {  	s11 =	simm.s32 $0x0;
	s3 =	rddreg [dreg:$0x1];
	s5 =	sadd.s32 s4, s5  }
0xb: {  	_ =	strace $0x8000004A;
	s4 =	simm.s32 $0x1;
	s5 =	smul.u32 $0xC8, s5  }
0xc: {  	s6 =	sadd.s32 $0xA00, s6;
	s10 =	smov.u32 s2;
	[sflag:s4] =	ssyncpa.u1 $0x0  }
0xd: {  	p0 =	por $0x0, $0x0;
	[sflag:s7] =	ssyncpa.u1 $0x0;
	s7 =	sor.u32 $0x1, s5  }
.LBB1_4:
0xe: {  	s16 =	sshll.u32 s13, $0x3;
	s17 =	sand.u32 $0x78, s13  }
0xf: {  	s30 =	sand.u32 $0x3E00, s13;
	s12 =	sshll.u32 s12, $0xE;
	s16 =	sand.u32 $0xC00, s16  }
0x10: {  	s31 =	sand.u32 $0x7, s13;
	s16 =	sor.u32 s17, s16;
	s17 =	sadd.s32 s3, s30  }
0x11: {  	s13 =	sshll.u32 s31, $0x12;
	s16 =	sshrl.u32 s16, $0x3;
	s12 =	sadd.s32 s12, s17  }
0x12: {  	[tilespmem:s15+$0x0 ss:$0x81] =	vst.msk $0xffff, v0;
	s13 =	sor.u32 $0x400, s13;
	s12 =	sadd.s32 s16, s12  }
0x13: {  	[hbm4b:s12+s13] =	stream.strided.scatter [tilespmem:s14], [sflag:$0x2], $0x1000, s8, s13, $0x20;
	[tilespmem:$0x4040] =	vst v63  }
.LBB1_5:
0x14: {  	s14 =	sadd.s32 $0x1, s9  }
0x15: {  	s12 =	sadd.s32 $0x1000, s10;
	s16 =	smov.u32 s10;
	p2 =	sgt.s32 s14, $0xC7  }
0x16: {  	s16 =	smov.u32 @p2 s12  }
0x17: {  	s14 =	simm.s32 @p2 $0x0;
	p2 =	sgt.s32 s16, $0xFFF  }
0x18: {  	s16 =	smov.u32 @p2 s2;
	p2 =	sne.s32 s11, s7  }
.Ltmp1:
0x19: {  	p1 =	slt.u32 s11, $0x2;
	(pc) =	sbr.rel @!p2 .LBB1_6-.Ltmp1, $4  }
0x1a: {  	s15 =	simm.s32 @!p1 $0x2  }
0x1b: {  	s13 =	smov.u32 s10;
	p0 =	por !p0, !p0;
	_ =	swait.ge @!p1 [sflag:s15], $0x1000  }
0x1c: {  	s12 =	smov.u32 s9;
	[sflag:s15] =	ssyncset.done @!p1 $0x0;
	s9 =	smov.u32 s14  }
0x1d: {  	s11 =	sadd.s32 $0x1, s11;
	[sflag:s15] =	ssyncadd.s32 @!p1 $0xFFFFF000;
	s10 =	smov.u32 s16  }
.LBB1_1:
0x1e: {  	p1 =	sge.u32 s11, s5  }
0x1f: {  	s14 =	sand.u32 @!p1 $0x1FFFFFF, s9  }
0x20: {  	s15 =	smulhi.u32 @!p1 $0x147AE15, s14;
	_ =	sdelay $0x1  }
0x21: {  	s15 =	smul.u32 @!p1 $0xC8, s15  }
0x22: {  	s16 =	sxor.u32 @!p1 $0xFFFFFFFF, s11;
	s17 =	smul.u32 @!p1 $0xC80, s10  }
0x23: {  	s31 =	sadd.s32 $0xFFFFFFFF, s11;
	s16 =	sshll.u32 @!p1 s16, $0xC;
	s14 =	ssub.s32 @!p1 s14, s15  }
0x24: {  	s15 =	sand.u32 @!p1 $0x1000, s16;
	s16 =	sadd.s32 @!p1 s6, s17;
	s14 =	sshll.u32 @!p1 s14, $0x4  }
0x25: {  	s17 =	simm.s32 @!p1 $0x6400;
	s14 =	sadd.s32 @!p1 s14, s16;
	s16 =	simm.s32 @!p1 $0x20  }
0x26: {  	[tilespmem:s15], [sflag:$0x1] =	stream.strided.gather @!p1 [hbm4b:s14+s16], $0x1000, s17, s16, $0x38;
	[tilespmem:$0x4040] =	vst v63  }
0x27: {  	p1 =	sge.u32 s31, s5  }
.Ltmp2:
0x28: {  	_ = 	snop;
	(pc) =	sbr.rel @p1 .LBB1_5-.Ltmp2, $1  }
0x29: {  	_ =	sdelay $0x3  }
0x2a: {  	s14 =	simm.s32 $0x1  }
0x2b: {  	_ =	swait.ge [sflag:s4], $0x1000;
	s14 =	simm.s32 @!p0 $0x0  }
0x2c: {  	[sflag:s4] =	ssyncset.done $0x0;
	s15 =	sshll.u32 s14, $0xC  }
0x2d: {  	[sflag:s4] =	ssyncadd.s32 $0xFFFFF000;
	s18 =	sor.u32 $0x10, s15  }
0x2e: {  	s14 =	smul.u32 $0x4080, s14;
	v1 =	vld [tilespmem:s18+$0x0]  }
0x2f: {  	s30 =	sand.u32 $0x1, s11;
	v0 =	vld [tilespmem:s18+$0xFFFFFFF0]  }
0x30: {  	s15 =	smul.u32 $0x4080, s30;
	s14 =	sshrl.u32 s14, $0x2  }
0x31: {  	s16 =	sor.u32 $0x2000, s14  }
0x32: {  	s31 =	sshrl.u32 s15, $0x2;
	s15 =	sadd.s32 $0x0, s16  }
0x33: {  	s17 =	simm.s32 $0x4;
	s18 =	sadd.s32 $0x20, s18;
	s14 =	sor.u32 $0x2000, s31;
	[tilespmem:s15+$0x810 ss:$0x81] =	vst.msk $0xffff, v1  }
.LBB1_3:
0x34: {  	v1 =	vld [tilespmem:s18+$0x0];
	p1 =	sne.s32 s17, $0x1FC;
	[tilespmem:s15+$0x0 ss:$0x81] =	vst.msk $0xffff, v0;
	s15 =	smov.u32 s17;
	s17 =	sadd.s32 $0x4, s17  }
.Ltmp3:
0x35: {  	v0 =	vld [tilespmem:s18+$0xFFFFFFF0];
	(pc) =	sbr.rel @p1 .LBB1_3-.Ltmp3, $4  }
0x36: {  	_ = 	snop  }
0x37: {  	s15 =	sshra.s32 s15, $0x2  }
0x38: {  	s15 =	sadd.s32 s15, s16  }
0x39: {  	s18 =	sadd.s32 $0x20, s18;
	[tilespmem:s15+$0x810 ss:$0x81] =	vst.msk $0xffff, v1  }
.Ltmp4:
0x3a: {  	_ = 	snop;
	(pc) =	sbr.rel .LBB1_4-.Ltmp4, $1  }
0x3b: {  	_ =	sdelay $0x3  }
.LBB1_6:
0x3c: {  	_ =	sfence.sel $0x180000  }
0x3d: {  	s2 =	simm.s32 $0x1;
	[bflag:$0x0] =	sbarrier.arrive $0xFFFF  }
0x3e: {  	s31 =	simm.s32 $0x2;
	[sflag:s2] =	ssyncpa.u1 $0x1  }
0x3f: {  	[sflag:s31] =	ssyncpa.u1 $0x1  }
0x40: {  	p0 =	sne.s32 s0, $0x0;
	_ =	strace $0x9000004A  }
0x41: {  	s0 =	sadd.s32 @!p0 $0x100000, s1;
	[bflag:$0x2] =	sbarrier.arrive $0xFFFF  }
0x42: {  	[sflag:s0] =	ssyncadd.tile.s32 @!p0 $0x1;
	_ =	shalt  }
.Lfunc_end1:
_tile_overlayer_lowered:
.L_overlay_start_2:
0x43: {  	(tag) =	ssettag $0x2  }
0x44: {  	s0 =	rddreg [dreg:$0x0];
	s2 =	stileid.u32  }
0x45: {  	s1 =	rddreg [dreg:$0x1];
	p0 =	sne.s32 s2, $0x0  }
0x46: {  	s3 =	rddreg [dreg:$0x2];
	[bflag:$0x3] =	sbarrier.arrive $0xFFFF;
	s2 =	simm.s32 @!p0 $0x1C01  }
0x47: {  	[timem:s3], [sflag:s2] =	dma.local @!p0 [hbm:s0], s1  }
0x48: {  	s0 =	simm.s32 @!p0 $0x1  }
0x49: {  	_ =	swait.ge @!p0 [sflag:s0], s1  }
0x4a: {  	s1 =	ssub.s32 @!p0 $0x0, s1;
	[sflag:s0] =	ssyncset.done @!p0 $0x0  }
0x4b: {  	[sflag:s0] =	ssyncadd.s32 @!p0 s1  }
0x4c: {  	[bflag:$0x3] =	sbarrier.arrive $0xFFFF  }
0x4d: {  	_ =	shalt  }

</sc_bundles>
